<compile_context>
chip_gen: v7x
topology: tpu7x:2x2x1
jax: 0.10.2.dev20260603
libtpu: 0.0.44.dev20260713+nightly
codegen_flags: <defaults>
</compile_context>

<pallas_src>
import functools

import jax
import jax.numpy as jnp
from jax import lax
from jax.experimental import pallas as pl
from jax.experimental.pallas import tpu as pltpu
from jax.experimental.pallas import tpu_sc as plsc

_N = 100000
_G = 1024
_NC = 2
_NS = 16
_HALF = _G // _NC
_LANES = 16
_S = 395
_CHUNK = _LANES * _S
_TAIL = _N - 15 * _CHUNK
_S_TAIL = _TAIL // _LANES

_mesh = plsc.VectorSubcoreMesh(core_axis_name="c", subcore_axis_name="s")


@functools.partial(
    pl.kernel,
    mesh=_mesh,
    compiler_params=pltpu.CompilerParams(
        needs_layout_passes=False,
        disable_bounds_checks=True,
        disable_semaphore_checks=True,
    ),
    out_type=jax.ShapeDtypeStruct((_G,), jnp.float32),
    scratch_types=[
        pltpu.VMEM((_CHUNK,), jnp.float32),
        pltpu.VMEM((_CHUNK,), jnp.int32),
        pltpu.VMEM((_HALF,), jnp.float32),
        pltpu.VMEM((_HALF,), jnp.int32),
        pltpu.VMEM_SHARED((_HALF,), jnp.float32),
        pltpu.SemaphoreType.DMA,
        pltpu.SemaphoreType.DMA,
    ],
)
def _segment_sum_sc(
    energy_hbm, idx_hbm, out_hbm, e_v, i_v, acc_v, iota_v, shared, sem_e, sem_i
):
    cid = lax.axis_index("c")
    sid = lax.axis_index("s")
    base = sid * _CHUNK

    cp_e = pltpu.async_copy(
        energy_hbm.at[pl.ds(base, _TAIL)], e_v.at[pl.ds(0, _TAIL)], sem_e
    )
    cp_i = pltpu.async_copy(
        idx_hbm.at[pl.ds(base, _TAIL)], i_v.at[pl.ds(0, _TAIL)], sem_i
    )
    base2 = jnp.minimum(base + _TAIL, _N - (_CHUNK - _TAIL)).astype(jnp.int32)
    cp_e2 = pltpu.async_copy(
        energy_hbm.at[pl.ds(base2, _CHUNK - _TAIL)],
        e_v.at[pl.ds(_TAIL, _CHUNK - _TAIL)],
        sem_e,
    )
    cp_i2 = pltpu.async_copy(
        idx_hbm.at[pl.ds(base2, _CHUNK - _TAIL)],
        i_v.at[pl.ds(_TAIL, _CHUNK - _TAIL)],
        sem_i,
    )

    zeros = jnp.zeros((_LANES,), jnp.float32)
    iota16 = lax.iota(jnp.int32, _LANES)

    def init_body(j, carry):
        acc_v[pl.ds(j * _LANES, _LANES)] = zeros
        iota_v[pl.ds(j * _LANES, _LANES)] = iota16 + j * _LANES
        return carry

    lax.fori_loop(0, _HALF // _LANES, init_body, 0)

    @pl.when(sid == 0)
    def _():
        pltpu.sync_copy(acc_v, shared)

    plsc.subcore_barrier()

    cp_e.wait()
    cp_i.wait()
    cp_e2.wait()
    cp_i2.wait()

    lo = cid * _HALF
    s_run = jnp.where(sid == _NS - 1, _S_TAIL, _S).astype(jnp.int32)
    lane_base = iota16 * s_run

    @plsc.parallel_loop(0, s_run, 1, unroll=8)
    def _(j):
        node = lane_base + j
        e = plsc.load_gather(e_v, [node])
        ix = plsc.load_gather(i_v, [node]) - lo
        mask = plsc.bitcast(ix, jnp.uint32) < jnp.uint32(_HALF)
        plsc.addupdate_scatter(acc_v, [ix], e, mask=mask)

    pltpu.sync_copy(acc_v, shared.at[iota_v], add=True)
    plsc.subcore_barrier()

    @pl.when(sid == 0)
    def _():
        pltpu.sync_copy(shared, out_hbm.at[pl.ds(lo, _HALF)])


def kernel(node_energy, batch, num_graphs):
    del num_graphs
    return _segment_sum_sc(
        node_energy.astype(jnp.float32), batch.astype(jnp.int32)
    )

# --- scband reference (transcript-rebuilt; emitter-appended) ---
"""Pipeline reference for scband-energy-aggregation-34531537060552 (READ-ONLY COPY).

The authoritative reference and input builder live on the scoring server;
editing this copy changes nothing except your own understanding.
"""

import jax, jax.numpy as jnp
import numpy as np


def setup_inputs(seed: int = 0) -> dict:
    key = jax.random.key(seed)
    k1, k2 = jax.random.split(key)
    node_energy = jax.random.normal(k1, (100000,), dtype=jnp.float32)
    batch = jnp.sort(jax.random.randint(k2, (100000,), 0, 1024, dtype=jnp.int64))
    return {"node_energy": node_energy, "batch": batch, "num_graphs": 1024}


def reference(node_energy, batch, num_graphs):
    # scatter-add pooling of per-atom energies to per-molecule energies (pooling='sum')
    energy = jax.ops.segment_sum(node_energy, batch, num_segments=1024)
    energy = energy + 0.0 * jnp.asarray(num_graphs, dtype=energy.dtype)
    return energy

if __name__ == "__main__":
    import jax
    _d = setup_inputs()
    print(jax.jit(kernel)(*tuple(_d.values())))

</pallas_src>

<mosaic_0001>
#map = affine_map<(d0, d1) -> (0)>
module attributes {stable_mosaic.version = 14 : i64} {
  func.func @_segment_sum_sc(%arg0: i32, %arg1: i32, %arg2: memref<100000xf32, #tpu.memory_space<hbm>>, %arg3: memref<100000xi32, #tpu.memory_space<hbm>>, %arg4: memref<1024xf32, #tpu.memory_space<hbm>>, %arg5: memref<6320xf32, #tpu.memory_space<vmem>>, %arg6: memref<6320xi32, #tpu.memory_space<vmem>>, %arg7: memref<512xf32, #tpu.memory_space<vmem>>, %arg8: memref<512xi32, #tpu.memory_space<vmem>>, %arg9: memref<512xf32, #tpu.memory_space<vmem_shared>>, %arg10: memref<!tpu.dma_semaphore, #tpu.memory_space<semaphore_mem>>, %arg11: memref<!tpu.dma_semaphore, #tpu.memory_space<semaphore_mem>>) attributes {dimension_semantics = [#tpu.dimension_semantics<core_parallel>, #tpu.dimension_semantics<subcore_parallel>], iteration_bounds = array<i64: 2, 16>, scalar_prefetch = 0 : i64, scratch_operands = 7 : i64, tpu.core_type = #tpu.core_type<sc_vector_subcore>, window_params = [{transform_indices = #map}, {transform_indices = #map}, {transform_indices = #map}]} {
    %mul3A = arith.constant 6320 : i32
    %mul3A_0 = arith.muli %arg1, %mul3A : i32
    %dma_start3A = arith.constant 0 : i32
    %dma_start3A_1 = tpu.memref_slice %arg5[%dma_start3A] : memref<6320xf32, #tpu.memory_space<vmem>> -> memref<5200xf32, #tpu.memory_space<vmem>>
    %dma_start3A_2 = tpu.memref_slice %arg2[%mul3A_0] : memref<100000xf32, #tpu.memory_space<hbm>> -> memref<5200xf32, #tpu.memory_space<hbm>>
    %dma_start3A_3 = arith.constant 0 : i32
    %dma_start3A_4 = tpu.memref_slice %arg5[%dma_start3A_3] : memref<6320xf32, #tpu.memory_space<vmem>> -> memref<5200xf32, #tpu.memory_space<vmem>>
    %dma_start3A_5 = tpu.memref_slice %arg2[%mul3A_0] : memref<100000xf32, #tpu.memory_space<hbm>> -> memref<5200xf32, #tpu.memory_space<hbm>>
    tpu.enqueue_dma source(%dma_start3A_5 : memref<5200xf32, #tpu.memory_space<hbm>>) target(%dma_start3A_4 : memref<5200xf32, #tpu.memory_space<vmem>>) target_semaphore(%arg10 : memref<!tpu.dma_semaphore, #tpu.memory_space<semaphore_mem>>)
    %dma_start3A_6 = arith.constant 0 : i32
    %dma_start3A_7 = tpu.memref_slice %arg6[%dma_start3A_6] : memref<6320xi32, #tpu.memory_space<vmem>> -> memref<5200xi32, #tpu.memory_space<vmem>>
    %dma_start3A_8 = tpu.memref_slice %arg3[%mul3A_0] : memref<100000xi32, #tpu.memory_space<hbm>> -> memref<5200xi32, #tpu.memory_space<hbm>>
    %dma_start3A_9 = arith.constant 0 : i32
    %dma_start3A_10 = tpu.memref_slice %arg6[%dma_start3A_9] : memref<6320xi32, #tpu.memory_space<vmem>> -> memref<5200xi32, #tpu.memory_space<vmem>>
    %dma_start3A_11 = tpu.memref_slice %arg3[%mul3A_0] : memref<100000xi32, #tpu.memory_space<hbm>> -> memref<5200xi32, #tpu.memory_space<hbm>>
    tpu.enqueue_dma source(%dma_start3A_11 : memref<5200xi32, #tpu.memory_space<hbm>>) target(%dma_start3A_10 : memref<5200xi32, #tpu.memory_space<vmem>>) target_semaphore(%arg11 : memref<!tpu.dma_semaphore, #tpu.memory_space<semaphore_mem>>)
    %add3A = arith.constant 5200 : i32
    %add3A_12 = arith.addi %mul3A_0, %add3A : i32
    %min3A = arith.constant 98880 : i32
    %min3A_13 = arith.minsi %add3A_12, %min3A : i32
    %dma_start3A_14 = arith.constant 5200 : i32
    %dma_start3A_15 = tpu.memref_slice %arg5[%dma_start3A_14] : memref<6320xf32, #tpu.memory_space<vmem>> -> memref<1120xf32, #tpu.memory_space<vmem>>
    %dma_start3A_16 = tpu.memref_slice %arg2[%min3A_13] : memref<100000xf32, #tpu.memory_space<hbm>> -> memref<1120xf32, #tpu.memory_space<hbm>>
    %dma_start3A_17 = arith.constant 5200 : i32
    %dma_start3A_18 = tpu.memref_slice %arg5[%dma_start3A_17] : memref<6320xf32, #tpu.memory_space<vmem>> -> memref<1120xf32, #tpu.memory_space<vmem>>
    %dma_start3A_19 = tpu.memref_slice %arg2[%min3A_13] : memref<100000xf32, #tpu.memory_space<hbm>> -> memref<1120xf32, #tpu.memory_space<hbm>>
    tpu.enqueue_dma source(%dma_start3A_19 : memref<1120xf32, #tpu.memory_space<hbm>>) target(%dma_start3A_18 : memref<1120xf32, #tpu.memory_space<vmem>>) target_semaphore(%arg10 : memref<!tpu.dma_semaphore, #tpu.memory_space<semaphore_mem>>)
    %dma_start3A_20 = arith.constant 5200 : i32
    %dma_start3A_21 = tpu.memref_slice %arg6[%dma_start3A_20] : memref<6320xi32, #tpu.memory_space<vmem>> -> memref<1120xi32, #tpu.memory_space<vmem>>
    %dma_start3A_22 = tpu.memref_slice %arg3[%min3A_13] : memref<100000xi32, #tpu.memory_space<hbm>> -> memref<1120xi32, #tpu.memory_space<hbm>>
    %dma_start3A_23 = arith.constant 5200 : i32
    %dma_start3A_24 = tpu.memref_slice %arg6[%dma_start3A_23] : memref<6320xi32, #tpu.memory_space<vmem>> -> memref<1120xi32, #tpu.memory_space<vmem>>
    %dma_start3A_25 = tpu.memref_slice %arg3[%min3A_13] : memref<100000xi32, #tpu.memory_space<hbm>> -> memref<1120xi32, #tpu.memory_space<hbm>>
    tpu.enqueue_dma source(%dma_start3A_25 : memref<1120xi32, #tpu.memory_space<hbm>>) target(%dma_start3A_24 : memref<1120xi32, #tpu.memory_space<vmem>>) target_semaphore(%arg11 : memref<!tpu.dma_semaphore, #tpu.memory_space<semaphore_mem>>)
    %broadcast_in_dim3A = arith.constant 0.000000e+00 : f32
    %broadcast_in_dim3A_26 = vector.broadcast %broadcast_in_dim3A : f32 to vector<16xf32>
    %iota3A = tpu.iota {dimensions = array<i32: 0>} : vector<16xi32>
    %scan3A = arith.constant 0 : i32
    %scan3A_27 = arith.constant 0 : i32
    %scan3A_28 = arith.constant 32 : i32
    %scan3A_29 = arith.addi %scan3A_27, %scan3A_28 : i32
    %scan3A_30 = arith.constant 1 : i32
    scf.for %scan3A_71 = %scan3A_27 to %scan3A_29 step %scan3A_30  : i32 {
      %mul3A_72 = arith.constant 16 : i32
      %mul3A_73 = arith.muli %scan3A_71, %mul3A_72 : i32
      %swap3A = arith.index_cast %mul3A_73 : i32 to index
      %swap3A_74 = tpu.vector_load %arg7[%swap3A] {strides = array<i32>} : memref<512xf32, #tpu.memory_space<vmem>>, vector<16xf32>,
      tpu.vector_store %arg7[%swap3A], %broadcast_in_dim3A_26 {strides = array<i32>} : memref<512xf32, #tpu.memory_space<vmem>>, vector<16xf32>,
      %mul3A_75 = arith.constant 16 : i32
      %mul3A_76 = arith.muli %scan3A_71, %mul3A_75 : i32
      %add3A_77 = vector.broadcast %mul3A_76 : i32 to vector<16xi32>
      %add3A_78 = arith.addi %iota3A, %add3A_77 : vector<16xi32>
      %mul3A_79 = arith.constant 16 : i32
      %mul3A_80 = arith.muli %scan3A_71, %mul3A_79 : i32
      %swap3A_81 = arith.index_cast %mul3A_80 : i32 to index
      %swap3A_82 = tpu.vector_load %arg8[%swap3A_81] {strides = array<i32>} : memref<512xi32, #tpu.memory_space<vmem>>, vector<16xi32>,
      tpu.vector_store %arg8[%swap3A_81], %add3A_78 {strides = array<i32>} : memref<512xi32, #tpu.memory_space<vmem>>, vector<16xi32>,
    }
    %scan3A_31 = arith.constant 32 : i32
    %eq3A = arith.constant 0 : i32
    %eq3A_32 = arith.cmpi eq, %arg1, %eq3A : i32
    %convert_element_type3A = arith.extui %eq3A_32 : i1 to i32
    %cond3A = arith.constant 0 : i32
    %cond3A_33 = arith.cmpi ne, %convert_element_type3A, %cond3A : i32
    scf.if %cond3A_33 {
      "tpu.region"() ({
        %run_scoped3A = tpu.sem_alloc : memref<!tpu.dma_semaphore, #tpu.memory_space<semaphore_mem>>
        tpu.enqueue_dma source(%arg7 : memref<512xf32, #tpu.memory_space<vmem>>) target(%arg9 : memref<512xf32, #tpu.memory_space<vmem_shared>>) target_semaphore(%run_scoped3A : memref<!tpu.dma_semaphore, #tpu.memory_space<semaphore_mem>>)
        tpu.wait_dma2 semaphore(%run_scoped3A : memref<!tpu.dma_semaphore, #tpu.memory_space<semaphore_mem>>) src(%arg7 : memref<512xf32, #tpu.memory_space<vmem>>) dst(%arg9 : memref<512xf32, #tpu.memory_space<vmem_shared>>)
        tpu.yield
      }) : () -> ()
    } else {
    }
    %barrier3A = arith.constant 0 : index
    tpu.barrier barrier_id(%barrier3A)
    %dma_wait3A = arith.constant 0 : i32
    %dma_wait3A_34 = tpu.memref_slice %arg5[%dma_wait3A] : memref<6320xf32, #tpu.memory_space<vmem>> -> memref<5200xf32, #tpu.memory_space<vmem>>
    %dma_wait3A_35 = tpu.memref_slice %arg2[%mul3A_0] : memref<100000xf32, #tpu.memory_space<hbm>> -> memref<5200xf32, #tpu.memory_space<hbm>>
    %dma_wait3A_36 = arith.constant 0 : i32
    %dma_wait3A_37 = tpu.memref_slice %arg5[%dma_wait3A_36] : memref<6320xf32, #tpu.memory_space<vmem>> -> memref<5200xf32, #tpu.memory_space<vmem>>
    %dma_wait3A_38 = tpu.memref_slice %arg2[%mul3A_0] : memref<100000xf32, #tpu.memory_space<hbm>> -> memref<5200xf32, #tpu.memory_space<hbm>>
    tpu.wait_dma2 semaphore(%arg10 : memref<!tpu.dma_semaphore, #tpu.memory_space<semaphore_mem>>) src(%dma_wait3A_38 : memref<5200xf32, #tpu.memory_space<hbm>>) dst(%dma_wait3A_37 : memref<5200xf32, #tpu.memory_space<vmem>>)
    %dma_wait3A_39 = arith.constant 0 : i32
    %dma_wait3A_40 = tpu.memref_slice %arg6[%dma_wait3A_39] : memref<6320xi32, #tpu.memory_space<vmem>> -> memref<5200xi32, #tpu.memory_space<vmem>>
    %dma_wait3A_41 = tpu.memref_slice %arg3[%mul3A_0] : memref<100000xi32, #tpu.memory_space<hbm>> -> memref<5200xi32, #tpu.memory_space<hbm>>
    %dma_wait3A_42 = arith.constant 0 : i32
    %dma_wait3A_43 = tpu.memref_slice %arg6[%dma_wait3A_42] : memref<6320xi32, #tpu.memory_space<vmem>> -> memref<5200xi32, #tpu.memory_space<vmem>>
    %dma_wait3A_44 = tpu.memref_slice %arg3[%mul3A_0] : memref<100000xi32, #tpu.memory_space<hbm>> -> memref<5200xi32, #tpu.memory_space<hbm>>
    tpu.wait_dma2 semaphore(%arg11 : memref<!tpu.dma_semaphore, #tpu.memory_space<semaphore_mem>>) src(%dma_wait3A_44 : memref<5200xi32, #tpu.memory_space<hbm>>) dst(%dma_wait3A_43 : memref<5200xi32, #tpu.memory_space<vmem>>)
    %dma_wait3A_45 = arith.constant 5200 : i32
    %dma_wait3A_46 = tpu.memref_slice %arg5[%dma_wait3A_45] : memref<6320xf32, #tpu.memory_space<vmem>> -> memref<1120xf32, #tpu.memory_space<vmem>>
    %dma_wait3A_47 = tpu.memref_slice %arg2[%min3A_13] : memref<100000xf32, #tpu.memory_space<hbm>> -> memref<1120xf32, #tpu.memory_space<hbm>>
    %dma_wait3A_48 = arith.constant 5200 : i32
    %dma_wait3A_49 = tpu.memref_slice %arg5[%dma_wait3A_48] : memref<6320xf32, #tpu.memory_space<vmem>> -> memref<1120xf32, #tpu.memory_space<vmem>>
    %dma_wait3A_50 = tpu.memref_slice %arg2[%min3A_13] : memref<100000xf32, #tpu.memory_space<hbm>> -> memref<1120xf32, #tpu.memory_space<hbm>>
    tpu.wait_dma2 semaphore(%arg10 : memref<!tpu.dma_semaphore, #tpu.memory_space<semaphore_mem>>) src(%dma_wait3A_50 : memref<1120xf32, #tpu.memory_space<hbm>>) dst(%dma_wait3A_49 : memref<1120xf32, #tpu.memory_space<vmem>>)
    %dma_wait3A_51 = arith.constant 5200 : i32
    %dma_wait3A_52 = tpu.memref_slice %arg6[%dma_wait3A_51] : memref<6320xi32, #tpu.memory_space<vmem>> -> memref<1120xi32, #tpu.memory_space<vmem>>
    %dma_wait3A_53 = tpu.memref_slice %arg3[%min3A_13] : memref<100000xi32, #tpu.memory_space<hbm>> -> memref<1120xi32, #tpu.memory_space<hbm>>
    %dma_wait3A_54 = arith.constant 5200 : i32
    %dma_wait3A_55 = tpu.memref_slice %arg6[%dma_wait3A_54] : memref<6320xi32, #tpu.memory_space<vmem>> -> memref<1120xi32, #tpu.memory_space<vmem>>
    %dma_wait3A_56 = tpu.memref_slice %arg3[%min3A_13] : memref<100000xi32, #tpu.memory_space<hbm>> -> memref<1120xi32, #tpu.memory_space<hbm>>
    tpu.wait_dma2 semaphore(%arg11 : memref<!tpu.dma_semaphore, #tpu.memory_space<semaphore_mem>>) src(%dma_wait3A_56 : memref<1120xi32, #tpu.memory_space<hbm>>) dst(%dma_wait3A_55 : memref<1120xi32, #tpu.memory_space<vmem>>)
    %mul3A_57 = arith.constant 512 : i32
    %mul3A_58 = arith.muli %arg0, %mul3A_57 : i32
    %eq3A_59 = arith.constant 15 : i32
    %eq3A_60 = arith.cmpi eq, %arg1, %eq3A_59 : i32
    %jit3A = arith.constant 325 : i32
    %jit3A_61 = arith.constant 395 : i32
    %select_n3A = arith.select %eq3A_60, %jit3A, %jit3A_61 : i32
    %mul3A_62 = vector.broadcast %select_n3A : i32 to vector<16xi32>
    %mul3A_63 = arith.muli %iota3A, %mul3A_62 : vector<16xi32>
    %parallel_loop3A = arith.constant 0 : i32
    %parallel_loop3A_64 = arith.constant 1 : i32
    scf.for %parallel_loop3A_71 = %parallel_loop3A to %select_n3A step %parallel_loop3A_64  : i32 {
      %parallel_loop3A_72 = vector.broadcast %parallel_loop3A_71 : i32 to vector<16xi32>
      %parallel_loop3A_73 = arith.addi %mul3A_63, %parallel_loop3A_72 : vector<16xi32>
      %parallel_loop3A_74 = tpu.vector_load_idx %arg5[%parallel_loop3A_73] : memref<6320xf32, #tpu.memory_space<vmem>>[vector<16xi32>], vector<16xf32>,
      %parallel_loop3A_75 = tpu.vector_load_idx %arg6[%parallel_loop3A_73] : memref<6320xi32, #tpu.memory_space<vmem>>[vector<16xi32>], vector<16xi32>,
      %parallel_loop3A_76 = vector.broadcast %mul3A_58 : i32 to vector<16xi32>
      %parallel_loop3A_77 = arith.subi %parallel_loop3A_75, %parallel_loop3A_76 : vector<16xi32>
      %parallel_loop3A_78 = vector.bitcast %parallel_loop3A_77 : vector<16xi32> to vector<16xi32>
      %parallel_loop3A_79 = arith.constant 512 : i32
      %parallel_loop3A_80 = vector.broadcast %parallel_loop3A_79 : i32 to vector<16xi32>
      %parallel_loop3A_81 = arith.cmpi ult, %parallel_loop3A_78, %parallel_loop3A_80 : vector<16xi32>
      tpu.vector_store_idx %arg7[%parallel_loop3A_77], %parallel_loop3A_74 masked %parallel_loop3A_81 {add = true} : memref<512xf32, #tpu.memory_space<vmem>>[vector<16xi32>], vector<16xf32>, vector<16xi1>
    } {sc.loop_unroll_factor = 8 : i64, sc.parallel_access}
    "tpu.region"() ({
      %run_scoped3A = tpu.sem_alloc : memref<!tpu.dma_semaphore, #tpu.memory_space<semaphore_mem>>
      %dma_start3A_71 = arith.constant 0 : i32
      %dma_start3A_72 = tpu.memref_slice %arg9[%dma_start3A_71] : memref<512xf32, #tpu.memory_space<vmem_shared>> -> memref<512xf32, #tpu.memory_space<vmem_shared>>
      tpu.enqueue_indirect_dma source(%arg7 : memref<512xf32, #tpu.memory_space<vmem>>) target(%dma_start3A_72 : memref<512xf32, #tpu.memory_space<vmem_shared>>) offsets(%arg8 : memref<512xi32, #tpu.memory_space<vmem>>) semaphore(%run_scoped3A : memref<!tpu.dma_semaphore, #tpu.memory_space<semaphore_mem>>) {add = true}
      %dma_wait3A_73 = arith.constant 0 : i32
      %dma_wait3A_74 = tpu.memref_slice %arg9[%dma_wait3A_73] : memref<512xf32, #tpu.memory_space<vmem_shared>> -> memref<512xf32, #tpu.memory_space<vmem_shared>>
      tpu.wait_indirect_dma semaphore(%run_scoped3A : memref<!tpu.dma_semaphore, #tpu.memory_space<semaphore_mem>>) src(%arg7 : memref<512xf32, #tpu.memory_space<vmem>>) dst(%dma_wait3A_74 : memref<512xf32, #tpu.memory_space<vmem_shared>>)
      tpu.yield
    }) : () -> ()
    %barrier3A_65 = arith.constant 0 : index
    tpu.barrier barrier_id(%barrier3A_65)
    %eq3A_66 = arith.constant 0 : i32
    %eq3A_67 = arith.cmpi eq, %arg1, %eq3A_66 : i32
    %convert_element_type3A_68 = arith.extui %eq3A_67 : i1 to i32
    %cond3A_69 = arith.constant 0 : i32
    %cond3A_70 = arith.cmpi ne, %convert_element_type3A_68, %cond3A_69 : i32
    scf.if %cond3A_70 {
      "tpu.region"() ({
        %run_scoped3A = tpu.sem_alloc : memref<!tpu.dma_semaphore, #tpu.memory_space<semaphore_mem>>
        %dma_start3A_71 = tpu.memref_slice %arg4[%mul3A_58] : memref<1024xf32, #tpu.memory_space<hbm>> -> memref<512xf32, #tpu.memory_space<hbm>>
        tpu.enqueue_dma source(%arg9 : memref<512xf32, #tpu.memory_space<vmem_shared>>) target(%dma_start3A_71 : memref<512xf32, #tpu.memory_space<hbm>>) target_semaphore(%run_scoped3A : memref<!tpu.dma_semaphore, #tpu.memory_space<semaphore_mem>>)
        %dma_wait3A_72 = tpu.memref_slice %arg4[%mul3A_58] : memref<1024xf32, #tpu.memory_space<hbm>> -> memref<512xf32, #tpu.memory_space<hbm>>
        tpu.wait_dma2 semaphore(%run_scoped3A : memref<!tpu.dma_semaphore, #tpu.memory_space<semaphore_mem>>) src(%arg9 : memref<512xf32, #tpu.memory_space<vmem_shared>>) dst(%dma_wait3A_72 : memref<512xf32, #tpu.memory_space<hbm>>)
        tpu.yield
      }) : () -> ()
    } else {
    }
    return
  }
}

</mosaic_0001>

<sc_bundles>
// kernel: kernel.3.cloned.1.call-start
scs
__scs_entry_jumppad:
0x0: {  	(pc) =	sbr.rel $0x88, $3  }
0x1: {  	(tag) =	ssettag $0x0;
	lr =	simm.s32 $0x1  }
0x2: {  	[smem:$0x3F9F] =	sst lr;
	_ =	strace $0xD0000000  }
0x3: {  	_ = 	snop  }
0x4: {  	_ = 	snop  }
0x5: {  	_ = 	snop  }
0x6: {  	_ = 	snop  }
0x7: {  	_ = 	snop  }
__scs_overlays_trampoline_lowered:
0x8: {  	[smem:$0x3FAE] =	sst s0  }
0x9: {  	[smem:$0x3FAF] =	sst s1  }
0xa: {  	[smem:$0x3FB0] =	sst s2  }
0xb: {  	[smem:$0x3FB1] =	sst s3  }
0xc: {  	[smem:$0x3FB2] =	sst s4  }
0xd: {  	[smem:$0x3FB3] =	sst s5  }
0xe: {  	[smem:$0x3FB4] =	sst s6  }
0xf: {  	[smem:$0x3FB5] =	sst s7  }
0x10: {  	[smem:$0x3FB6] =	sst s8  }
0x11: {  	[smem:$0x3FB7] =	sst s9;
	s0 =	simm.s32 @!p0 $0x0  }
0x12: {  	s1 =	sld [smem:$0x3F9D];
	s0 =	simm.s32 @p0 $0x1  }
0x13: {  	[smem:$0x3FB8] =	sst s0;
	s0 =	simm.s32 @!p1 $0x0  }
0x14: {  	s2 =	sld [smem:$0x3F9C];
	s0 =	simm.s32 @p1 $0x1  }
0x15: {  	[smem:$0x3FB9] =	sst s0;
	s0 =	simm.s32 @!p2 $0x0  }
0x16: {  	s3 =	sld [smem:$0x3FDB];
	s0 =	simm.s32 @p2 $0x1  }
0x17: {  	s4 =	simm.s32 $0x1BF5;
	[smem:$0x3FBB] =	sst s0  }
0x18: {  	s0 =	sld [smem:$0x3F9E];
	_ =	swait.ge [sflag:s4], $0x0  }
0x19: {  	s7 =	sld [smem:$0x3F9F]  }
0x1a: {  	s8 =	sadd.s32 $0xFFFFE003, lr  }
0x1b: {  	s9 =	sadd.s32 $0xFFFFFEF7, lr;
	s5 =	simm.s32 $0xFFFFFFFF;
	p2 =	slt.u32 s8, $0xFFFFF086  }
0x1c: {  	p1 =	slt.u32 s9, $0xF7A;
	s5 =	simm.s32 @!p2 $0x0  }
0x1d: {  	s5 =	simm.s32 @p1 $0x1;
	p0 =	seq.s32 s7, s2  }
0x1e: {  	s7 =	smul.u32 @!p0 $0xF7A, s2;
	p2 =	seq.s32 @!p0 s5, $0x0  }
0x1f: {  	s9 =	smul.u32 $0xF7A, s1;
	s8 =	simm.s32 @!p0 $0x1BF5;
	p2 =	por !p2, p0  }
0x20: {  	[sflag:s8] =	ssyncset.s32 @!p0 $0xFFFFF086;
	s6 =	sadd.s32 @!p0 s3, s7;
	s7 =	simm.s32 @!p0 $0x108  }
0x21: {  	s3 =	sadd.s32 s3, s9;
	s6 =	sadd.s32 @!p0 $0x88, s6;
	s7 =	simm.s32 @p2 $0x1082  }
0x22: {  	[simem:s7], [sflag:s8] =	dma.local @!p0 [hbm:s6], $0xF7A  }
0x23: {  	s9 =	sor.u32 $0xD0000000, s2;
	s6 =	simm.s32 $0x108;
	_ =	swait.ge @!p0 [sflag:s8], $0x0  }
0x24: {  	s3 =	sadd.s32 $0x88, s3;
	s6 =	simm.s32 @!p1 $0x1082;
	[sflag:s4] =	ssyncset.s32 $0xFFFFF086  }
0x25: {  	[simem:s6], [sflag:s4] =	dma.local [hbm:s3], $0xF7A  }
0x26: {  	[smem:$0x3F9F] =	sst s1;
	(tag) =	ssettag s2;
	_ =	strace s9  }
0x27: {  	s1 =	sld [smem:$0x3FAF]  }
0x28: {  	s2 =	sld [smem:$0x3FB0]  }
0x29: {  	s4 =	sld [smem:$0x3FB2]  }
0x2a: {  	p0 =	seq.s32 s5, $0x0;
	s5 =	sld [smem:$0x3FB3]  }
0x2b: {  	s6 =	sld [smem:$0x3FB4]  }
0x2c: {  	s7 =	sld [smem:$0x3FB5]  }
0x2d: {  	s3 =	simm.s32 $0x108;
	s8 =	sld [smem:$0x3FB6]  }
0x2e: {  	s3 =	simm.s32 @!p0 $0x1082;
	s9 =	sld [smem:$0x3FB7]  }
0x2f: {  	lr =	sadd.s32 s0, s3;
	s0 =	sld [smem:$0x3FAE]  }
0x30: {  	s3 =	sld [smem:$0x3FB1]  }
0x31: {  	[smem:$0x3FBA] =	sst s10  }
0x32: {  	s10 =	sld [smem:$0x3FB8];
	_ =	sdelay $0x3  }
0x33: {  	p0 =	seq.s32 s10, $0x1;
	s10 =	sld [smem:$0x3FBA];
	_ =	sdelay $0x3  }
0x34: {  	[smem:$0x3FBA] =	sst s10  }
0x35: {  	s10 =	sld [smem:$0x3FB9];
	_ =	sdelay $0x3  }
0x36: {  	p1 =	seq.s32 s10, $0x1;
	s10 =	sld [smem:$0x3FBA];
	_ =	sdelay $0x3  }
0x37: {  	[smem:$0x3FBA] =	sst s10  }
0x38: {  	s10 =	sld [smem:$0x3FBB]  }
0x39: {  	_ = 	snop;
	(pc) =	sbr.ind lr, $3  }
0x3a: {  	_ = 	snop  }
0x3b: {  	_ = 	snop  }
0x3c: {  	p2 =	seq.s32 s10, $0x1;
	s10 =	sld [smem:$0x3FBA]  }
0x3d: {  	_ =	shalt  }
0x3e: {  	_ =	shalt  }
0x3f: {  	_ =	shalt  }
0x40: {  	_ =	shalt  }
0x41: {  	_ =	shalt  }
0x42: {  	_ =	shalt  }
0x43: {  	_ =	shalt  }
0x44: {  	_ =	shalt  }
0x45: {  	_ =	shalt  }
0x46: {  	_ =	shalt  }
0x47: {  	_ =	shalt  }
0x48: {  	_ =	shalt  }
0x49: {  	_ =	shalt  }
0x4a: {  	_ =	shalt  }
0x4b: {  	_ =	shalt  }
0x4c: {  	_ =	shalt  }
0x4d: {  	_ =	shalt  }
0x4e: {  	_ =	shalt  }
0x4f: {  	_ =	shalt  }
0x50: {  	_ =	shalt  }
0x51: {  	_ =	shalt  }
0x52: {  	_ =	shalt  }
0x53: {  	_ =	shalt  }
0x54: {  	_ =	shalt  }
0x55: {  	_ =	shalt  }
0x56: {  	_ =	shalt  }
0x57: {  	_ =	shalt  }
0x58: {  	_ =	shalt  }
0x59: {  	_ =	shalt  }
0x5a: {  	_ =	shalt  }
0x5b: {  	_ =	shalt  }
0x5c: {  	_ =	shalt  }
0x5d: {  	_ =	shalt  }
0x5e: {  	_ =	shalt  }
0x5f: {  	_ =	shalt  }
0x60: {  	_ =	shalt  }
0x61: {  	_ =	shalt  }
0x62: {  	_ =	shalt  }
0x63: {  	_ =	shalt  }
0x64: {  	_ =	shalt  }
0x65: {  	_ =	shalt  }
0x66: {  	_ =	shalt  }
0x67: {  	_ =	shalt  }
0x68: {  	_ =	shalt  }
0x69: {  	_ =	shalt  }
0x6a: {  	_ =	shalt  }
0x6b: {  	_ =	shalt  }
0x6c: {  	_ =	shalt  }
0x6d: {  	_ =	shalt  }
0x6e: {  	_ =	shalt  }
0x6f: {  	_ =	shalt  }
0x70: {  	_ =	shalt  }
0x71: {  	_ =	shalt  }
0x72: {  	_ =	shalt  }
0x73: {  	_ =	shalt  }
0x74: {  	_ =	shalt  }
0x75: {  	_ =	shalt  }
0x76: {  	_ =	shalt  }
0x77: {  	_ =	shalt  }
0x78: {  	_ =	shalt  }
0x79: {  	_ =	shalt  }
0x7a: {  	_ =	shalt  }
0x7b: {  	_ =	shalt  }
0x7c: {  	_ =	shalt  }
0x7d: {  	_ =	shalt  }
0x7e: {  	_ =	shalt  }
0x7f: {  	_ =	shalt  }
0x80: {  	_ =	shalt  }
0x81: {  	_ =	shalt  }
0x82: {  	_ =	shalt  }
0x83: {  	_ =	shalt  }
0x84: {  	_ =	shalt  }
0x85: {  	_ =	shalt  }
0x86: {  	_ =	shalt  }
0x87: {  	_ =	shalt  }
.Lfunc_end0:
.L_simem_size_0:
called_computation_lowered:
.L_overlay_start_0:
0x88: {  	s2 =	sld [smem:$0x3FD9]  }
0x89: {  	s3 =	sld [smem:$0x3FFE];
	_ =	sdelay $0x1  }
0x8a: {  	s1 =	srdreg.scid  }
0x8b: {  	s0 =	sand.u32 $0x1, s1  }
0x8c: {  	s18 =	sshll.u32 s0, $0xA;
	s2 =	sadd.s32 s3, s2  }
0x8d: {  	s2 =	sadd.s32 s2, s18  }
0x8e: {  	[smem:$0x3FC6] =	sst s2  }
0x8f: {  	_ = 	snop  }
0x90: {  	s2 =	sld [smem:$0x3FC9]  }
0x91: {  	s19 =	sld [smem:$0x3FC8]  }
0x92: {  	s4 =	sld [smem:$0x3FD0];
	(tm) =	ssettm $0x1  }
0x93: {  	s5 =	sld [smem:$0x3FFB];
	_ =	sdelay $0x3  }
0x94: {  	_ =	strace s5  }
0x95: {  	s5 =	sld [smem:$0x3FFC];
	_ =	sdelay $0x3  }
0x96: {  	_ =	strace s5  }
0x97: {  	s5 =	sld [smem:$0x3FFD];
	_ =	sdelay $0x3  }
0x98: {  	_ =	strace s5  }
0x99: {  	_ =	strace $0x8FFFFFFF  }
0x9a: {  	s20 =	sld [smem:$0x3FDB];
	_ =	sdelay $0x1  }
0x9b: {  	s6 =	simm.s32 $_scs_section_size  }
0x9c: {  	s7 =	simm.s32 $_size__tile_overlayer_lowered;
	s8 =	simm.s32 $_tile_overlayer_lowered  }
0x9d: {  	s23 =	simm.s32 $0x1BFF;
	s22 =	sshll.u32 s8, $0x1;
	s5 =	sadd.s32 s6, s20  }
0x9e: {  	s9 =	simm.s32 $0x0;
	s21 =	sshll.u32 s7, $0x1;
	s7 =	sadd.s32 s22, s5  }
0x9f: {  	[timem:s9], [sflag:s23] =	dma.local [hbm:s7], s21  }
0xa0: {  	_ =	swait.ge [sflag:s23], s21  }
0xa1: {  	s6 =	ssub.s32 $0x0, s21;
	[sflag:s23] =	ssyncset.done $0x0  }
0xa2: {  	[sflag:s23] =	ssyncadd.s32 s6;
	_ =	sdelay $0x1  }
0xa3: {  	s24 =	simm.s32 $0x1B8B  }
0xa4: {  	_ =	swait.ge [sflag:s24], $0x1  }
0xa5: {  	[sflag:s24] =	ssyncset.done $0x0  }
0xa6: {  	s25 =	simm.s32 $0x1B8E;
	[sflag:s24] =	ssyncadd.s32 $0xFFFFFFFF  }
0xa7: {  	s26 =	simm.s32 $execute0_lowered;
	[smem:$0x3FD2] =	sst s25  }
0xa8: {  	s6 =	sshll.u32 s26, $0x1;
	_ =	strace $0x80000046;
	[dreg:$0x1] =	wrdreg $0xFFFFFFFF  }
0xa9: {  	s28 =	simm.s32 $_size_execute0_lowered;
	s5 =	sadd.s32 s5, s6;
	[dreg:$0x0] =	wrdreg $0x0  }
0xaa: {  	s6 =	sshll.u32 s28, $0x1;
	[dreg:$0x2] =	wrdreg s5  }
0xab: {  	[dreg:$0x3] =	wrdreg s6  }
0xac: {  	[dreg:$0x4] =	wrdreg $0xC0  }
0xad: {  	_ =	task [dreg:s9], $0x5FFFF  }
0xae: {  	[dreg:$0x1] =	wrdreg $0xFFFFFFFF  }
0xaf: {  	[dreg:$0x0] =	wrdreg $0x60  }
0xb0: {  	[dreg:$0x2] =	wrdreg s2  }
0xb1: {  	[dreg:$0x3] =	wrdreg s19  }
0xb2: {  	[dreg:$0x4] =	wrdreg s4  }
0xb3: {  	[dreg:$0x5] =	wrdreg $0x36000  }
0xb4: {  	[dreg:$0x6] =	wrdreg $0x9  }
0xb5: {  	_ =	task.clear_ibuf [dreg:s9], $0x7FFFF;
	_ =	strace $0x90000046  }
0xb6: {  	s29 =	simm.s32 $0x9;
	_ =	strace $0x80000048  }
0xb7: {  	_ =	swait.ge [sflag:s29], $0x1  }
0xb8: {  	[sflag:s29] =	ssyncadd.s32 $0xFFFFFFFF  }
0xb9: {  	_ =	strace $0x90000048  }
0xba: {  	_ =	sfence  }
0xbb: {  	s30 =	sld [smem:$0x0];
	_ =	sdelay $0x2  }
0xbc: {  	s31 =	sshll.u32 s1, $0xD;
	s1 =	sshrl.u32 s1, $0x2  }
0xbd: {  	s3 =	sand.u32 $0x4000, s31;
	s1 =	sadd.s32 s1, s30  }
0xbe: {  	s0 =	sor.u32 s3, s0;
	s1 =	sshll.u32 s1, $0x11  }
0xbf: {  	s0 =	sor.u32 s1, s0  }
0xc0: {  	s0 =	sadd.s32 $0x8F2B, s0  }
0xc1: {  	[sflag:s0] =	ssyncadd.remote.s32 $0x1  }
0xc2: {  	_ =	sfence.sel $0xFFFF  }
0xc3: {  	[dreg:$0x0] =	wrdreg $0xFFFFFFFF;
	(pc) =	sbr.abs _section_cstart, $3  }
0xc4: {  	[dreg:$0x1] =	wrdreg $0xFFFFFFFF  }
0xc5: {  	_ =	task.clear_ibuf [dreg:s9], $0x2FFFF;
	_ =	strace $0x9FFFFFFF  }
0xc6: {  	(tm) =	ssettm $0x7FFFFFFF  }
0xc7: {  	_ =	shalt  }
tec
execute0_lowered:
.L_overlay_start_1:
0x0: {  	(tag) =	ssettag $0x1  }
0x1: {  	s5 =	rddreg [dreg:$0x0]  }
0x2: {  	s7 =	rddreg [dreg:$0x1]  }
0x3: {  	s9 =	rddreg [dreg:$0x2]  }
0x4: {  	s1 =	rddreg [dreg:$0x3]  }
0x5: {  	s0 =	rddreg [dreg:$0x4];
	s3 =	srdreg.scid  }
0x6: {  	s14 =	stileid.u32;
	s2 =	simm.s32 $0x0;
	s12 =	simm.s32 $0x1450  }
0x7: {  	s13 =	simm.s32 $0x2D50;
	s15 =	simm.s32 $0x2;
	s16 =	simm.s32 $0x3200  }
0x8: {  	s17 =	simm.s32 $0x200;
	s19 =	simm.s32 $0x3;
	s20 =	simm.s32 $0x0  }
0x9: {  	s8 =	sand.u32 $0x1, s3;
	s28 =	smul.u32 $0x18B0, s14;
	[smem:$0x7FF] =	sst s2  }
0xa: {  	p0 =	seq.s32 s14, $0xF;
	s4 =	ssub.s32 $0x2, s8;
	_ =	strace $0x80000047  }
0xb: {  	s31 =	sshll.u32 s8, $0x6;
	s18 =	sshll.u32 s8, $0x9;
	s6 =	sshrl.u32 s4, $0x1  }
0xc: {  	s10 =	smin.u32 s28, $0x16DF0;
	s29 =	sshrl.u32 s28, $0x3;
	s9 =	sadd.s32 s9, s31  }
0xd: {  	v2 =	vmov s18;
	s18 =	simm.s32 $0x3400;
	s11 =	ssub.s32 s4, s6;
	s30 =	sshrl.u32 s10, $0x3  }
0xe: {  	s3 =	sadd.s32 s5, s29;
	s4 =	sadd.s32 s7, s29;
	s6 =	simm.s32 $0x145  }
0xf: {  	v0 =	vlaneseq.u32;
	s10 =	sadd.s32 $0x28A, s30;
	s6 =	simm.s32 @!p0 $0x18B;
	p0 =	sne.s32 s14, $0x0  }
0x10: {  	s14 =	simm.s32 $0x1;
	s5 =	sadd.s32 s5, s10;
	s7 =	sadd.s32 s7, s10;
	v1 =	vmul.u32 s6, v0  }
0x11: {  	v3 =	vimm.f32 $0.0e+00;
	s8 =	sand.u32 $0x1C8, s6;
	s10 =	smax.u32 s11, $0x1;
	s11 =	simm.s32 $0x1900  }
.LBB2_1:
0x12: {  	[tilespmem:s2], [sflag:$0x1] =	stream.linear.gather [hbm4b:s3+s2], $0x1450, $0x38;
	[tilespmem:$0x3620] =	vst v63  }
0x13: {  	_ = 	snop  }
0x14: {  	[tilespmem:s11], [sflag:$0x2] =	stream.linear.gather [hbm4b:s4+s2], $0x1450, $0x38;
	[tilespmem:$0x3620] =	vst v63  }
0x15: {  	_ = 	snop  }
0x16: {  	[tilespmem:s12], [sflag:$0x1] =	stream.linear.gather [hbm4b:s5+s2], $0x460, $0x38;
	[tilespmem:$0x3620] =	vst v63  }
0x17: {  	_ = 	snop  }
0x18: {  	[tilespmem:s13], [sflag:$0x2] =	stream.linear.gather [hbm4b:s7+s2], $0x460, $0x38;
	[tilespmem:$0x3620] =	vst v63  }
0x19: {  	v4 =	vor.u32 s2, v0;
	[tilespmem:s16+$0x0] =	vst v3  }
0x1a: {  	s21 =	simm.s32 $0x10;
	s22 =	simm.s32 $0x3210;
	s23 =	simm.s32 $0x3400;
	[tilespmem:s18+$0x0] =	vst v4  }
.LBB2_2:
0x1b: {  	[tilespmem:s22+$0x0] =	vst v3;
	v4 =	vor.u32 s21, v0;
	p1 =	sne.s32 s21, $0x1F0;
	s21 =	sadd.s32 $0x10, s21;
	s23 =	sadd.s32 $0x10, s23  }
.Ltmp0:
0x1c: {  	[tilespmem:s23+$0x0] =	vst v4;
	(pc) =	sbr.rel @p1 .LBB2_2-.Ltmp0, $2  }
0x1d: {  	_ =	sdelay $0x2  }
0x1e: {  	s22 =	sadd.s32 $0x10, s22  }
0x1f: {  	s21 =	simm.s32 @!p0 $0x3200  }
0x20: {  	[spmem:s1] =	stream.linear.scatter @!p0 [tilespmem:s21], [sflag:$0x3], $0x200, $0x38;
	[tilespmem:$0x3620] =	vst v63  }
0x21: {  	s21 =	simm.s32 @!p0 $0x3  }
0x22: {  	_ =	swait.ge @!p0 [sflag:s21], $0x200  }
0x23: {  	[sflag:s21] =	ssyncset.done @!p0 $0x0  }
0x24: {  	[sflag:s21] =	ssyncadd.s32 @!p0 $0xFFFFFE00  }
0x25: {  	[bflag:$0x0] =	sbarrier.arrive $0xFFFF  }
0x26: {  	_ =	swait.ge [sflag:s14], $0x1450  }
0x27: {  	[sflag:s14] =	ssyncset.done $0x0  }
0x28: {  	[sflag:s14] =	ssyncadd.s32 $0xFFFFEBB0  }
0x29: {  	_ =	swait.ge [sflag:s15], $0x1450  }
0x2a: {  	[sflag:s15] =	ssyncset.done $0x0  }
0x2b: {  	[sflag:s15] =	ssyncadd.s32 $0xFFFFEBB0  }
0x2c: {  	s24 =	simm.s32 $0x0;
	_ =	swait.ge [sflag:s14], $0x460  }
0x2d: {  	s26 =	simm.s32 $0x2;
	v6 =	vadd.s32 s24, v1;
	[sflag:s14] =	ssyncset.done $0x0  }
0x2e: {  	v8 =	vadd.s32 s26, v1;
	[sflag:s14] =	ssyncadd.s32 $0xFFFFFBA0  }
0x2f: {  	s25 =	simm.s32 $0x1;
	_ =	swait.ge [sflag:s15], $0x460  }
0x30: {  	s22 =	simm.s32 $0x7;
	v4 =	vadd.s32 s25, v1;
	[sflag:s15] =	ssyncset.done $0x0  }
0x31: {  	s29 =	simm.s32 $0x3;
	v16 =	vadd.s32 s22, v1;
	[sflag:s15] =	ssyncadd.s32 $0xFFFFFBA0  }
0x32: {  	v11 =	vadd.s32 s29, v1;
	v9 =	vld.idx.msk [tilespmem:v6+s11+$0x0], $0xffff  }
0x33: {  	s28 =	simm.s32 $0x5;
	v10 =	vld.idx.msk [tilespmem:v8+s11+$0x0], $0xffff  }
0x34: {  	s30 =	simm.s32 $0x4;
	v5 =	vadd.s32 s28, v1;
	v17 =	vld.idx.msk [tilespmem:v6+s2+$0x0], $0xffff  }
0x35: {  	v14 =	vld.idx.msk [tilespmem:v4+s11+$0x0], $0xffff;
	v6 =	vadd.s32 s30, v1  }
0x36: {  	s31 =	simm.s32 $0x6;
	v20 =	vld.idx.msk [tilespmem:v16+s11+$0x0], $0xffff  }
0x37: {  	v18 =	vadd.s32 s31, v1;
	v15 =	vld.idx.msk [tilespmem:v11+s11+$0x0], $0xffff  }
0x38: {  	v13 =	vld.idx.msk [tilespmem:v8+s2+$0x0], $0xffff;
	v8 =	vsub.s32 v9, v2;
	v9 =	vand.u32 $0x7F, v9;
	v19 =	vsub.s32 v10, v2  }
0x39: {  	v7 =	vld.idx.msk [tilespmem:v5+s11+$0x0], $0xffff;
	v10 =	vand.u32 $0x7F, v10;
	v12 =	vand.u32 $0xFFFFFF80, v8;
	vm1 =	vlt.u32 v8, $0x200  }
0x3a: {  	p1 =	sgt.u32 s8, $0x8;
	v8 =	vld.idx.msk [tilespmem:v6+s11+$0x0], $0xffff;
	vm2 =	vlt.u32 v19, $0x200;
	v22 =	vor.u32 v9, v12;
	v9 =	vand.u32 $0xFFFFFF80, v19  }
.Ltmp1:
0x3b: {  	v11 =	vld.idx.msk [tilespmem:v11+s2+$0x0], $0xffff;
	v19 =	vor.u32 v10, v9;
	(pc) =	sbr.rel @!p1 .LBB2_5-.Ltmp1, $4  }
0x3c: {  	v21 =	vsub.s32 v15, v2;
	v12 =	vld.idx.msk [tilespmem:v18+s11+$0x0], $0xffff  }
0x3d: {  	v23 =	vand.u32 $0x7F, v20;
	v9 =	vld.idx.msk [tilespmem:v18+s2+$0x0], $0xffff;
	v18 =	vsub.s32 v20, v2;
	v10 =	vsub.s32 v14, v2  }
0x3e: {  	v16 =	vld.idx.msk [tilespmem:v16+s2+$0x0], $0xffff;
	v14 =	vand.u32 $0x7F, v14;
	vm0 =	vlt.u32 v18, $0x200;
	v18 =	vand.u32 $0xFFFFFF80, v18  }
0x3f: {  	s21 =	simm.s32 $0x8;
	v20 =	vand.u32 $0xFFFFFF80, v21;
	v18 =	vor.u32 v23, v18;
	[tilespmem:v22+s16+$0x0] =	vst.idx.add.f32.msk vm1, v17;
	v17 =	vsub.s32 v8, v2  }
.LBB2_4:
0x40: {  	v22 =	vadd.s32 s21, v1;
	s22 =	sadd.s32 $0x1, s21;
	s23 =	sadd.s32 $0x5, s21;
	s24 =	sadd.s32 $0x7, s21;
	[tilespmem:v19+s16+$0x0] =	vst.idx.add.f32.msk vm2, v13;
	vm2 =	vlt.u32 v21, $0x200;
	vm1 =	vlt.u32 v17, $0x200  }
0x41: {  	s25 =	sadd.s32 $0x2, s21;
	v13 =	vand.u32 $0x7F, v15;
	v23 =	vadd.s32 s24, v1;
	v21 =	vld.idx.msk [tilespmem:v4+s2+$0x0], $0xffff;
	v4 =	vadd.s32 s22, v1;
	s22 =	smov.u32 s21;
	s21 =	sadd.s32 $0x8, s21  }
0x42: {  	v15 =	vadd.s32 s25, v1;
	v19 =	vadd.s32 s23, v1;
	v13 =	vor.u32 v13, v20;
	s24 =	sadd.s32 $0x3, s22;
	p1 =	slt.u32 s21, s8;
	v20 =	vld.idx.msk [tilespmem:v6+s2+$0x0], $0xffff  }
0x43: {  	v25 =	vand.u32 $0xFFFFFF80, v10;
	v27 =	vsub.s32 v7, v2;
	s23 =	sadd.s32 $0x4, s22;
	v24 =	vadd.s32 s24, v1;
	v26 =	vld.idx.msk [tilespmem:v5+s2+$0x0], $0xffff;
	v5 =	vmovc v19  }
0x44: {  	v14 =	vor.u32 v14, v25;
	v6 =	vadd.s32 s23, v1;
	v19 =	vand.u32 $0xFFFFFF80, v27;
	[tilespmem:v18+s16+$0x0] =	vst.idx.add.f32.msk vm0, v16  }
0x45: {  	v7 =	vand.u32 $0x7F, v7;
	s22 =	sadd.s32 $0x6, s22;
	v16 =	vand.u32 $0xFFFFFF80, v17;
	vm0 =	vlt.u32 v27, $0x200;
	v18 =	vld.idx.msk [tilespmem:v22+s2+$0x0], $0xffff  }
0x46: {  	v25 =	vadd.s32 s22, v1;
	v19 =	vor.u32 v7, v19;
	v7 =	vsub.s32 v12, v2;
	v17 =	vld.idx.msk [tilespmem:v4+s11+$0x0], $0xffff  }
0x47: {  	[tilespmem:v13+s16+$0x0] =	vst.idx.add.f32.msk vm2, v11;
	vm2 =	vlt.u32 v7, $0x200;
	v7 =	vand.u32 $0xFFFFFF80, v7;
	v11 =	vand.u32 $0x7F, v12  }
0x48: {  	v8 =	vand.u32 $0x7F, v8;
	v12 =	vld.idx.msk [tilespmem:v22+s11+$0x0], $0xffff;
	v11 =	vor.u32 v11, v7  }
0x49: {  	v16 =	vor.u32 v8, v16;
	v22 =	vld.idx.msk [tilespmem:v15+s11+$0x0], $0xffff  }
0x4a: {  	v27 =	vld.idx.msk [tilespmem:v23+s11+$0x0], $0xffff  }
0x4b: {  	vm3 =	vlt.u32 v10, $0x200;
	v7 =	vld.idx.msk [tilespmem:v5+s11+$0x0], $0xffff  }
0x4c: {  	v13 =	vld.idx.msk [tilespmem:v15+s2+$0x0], $0xffff  }
0x4d: {  	[tilespmem:v11+s16+$0x0] =	vst.idx.add.f32.msk vm2, v9  }
0x4e: {  	v9 =	vsub.s32 v12, v2;
	[tilespmem:v19+s16+$0x0] =	vst.idx.add.f32.msk vm0, v26  }
0x4f: {  	v10 =	vand.u32 $0xFFFFFF80, v9;
	v8 =	vld.idx.msk [tilespmem:v6+s11+$0x0], $0xffff  }
0x50: {  	vm4 =	vlt.u32 v9, $0x200;
	v9 =	vand.u32 $0x7F, v12;
	v11 =	vsub.s32 v22, v2;
	v15 =	vld.idx.msk [tilespmem:v24+s11+$0x0], $0xffff  }
0x51: {  	v12 =	vand.u32 $0x7F, v22;
	vm2 =	vlt.u32 v11, $0x200;
	v11 =	vand.u32 $0xFFFFFF80, v11;
	[tilespmem:v16+s16+$0x0] =	vst.idx.add.f32.msk vm1, v20  }
0x52: {  	v19 =	vor.u32 v12, v11;
	v20 =	vor.u32 v9, v10;
	[tilespmem:v14+s16+$0x0] =	vst.idx.add.f32.msk vm3, v21  }
.Ltmp2:
0x53: {  	v12 =	vld.idx.msk [tilespmem:v25+s11+$0x0], $0xffff;
	(pc) =	sbr.rel @p1 .LBB2_4-.Ltmp2, $4  }
0x54: {  	v22 =	vsub.s32 v27, v2;
	v9 =	vld.idx.msk [tilespmem:v25+s2+$0x0], $0xffff  }
0x55: {  	vm0 =	vlt.u32 v22, $0x200;
	v10 =	vsub.s32 v17, v2;
	v14 =	vand.u32 $0x7F, v17;
	v11 =	vld.idx.msk [tilespmem:v24+s2+$0x0], $0xffff  }
0x56: {  	v22 =	vand.u32 $0xFFFFFF80, v22;
	v21 =	vsub.s32 v15, v2;
	v16 =	vld.idx.msk [tilespmem:v23+s2+$0x0], $0xffff;
	v23 =	vand.u32 $0x7F, v27  }
0x57: {  	v17 =	vsub.s32 v8, v2;
	[tilespmem:v20+s16+$0x0] =	vst.idx.add.f32.msk vm4, v18;
	v20 =	vand.u32 $0xFFFFFF80, v21;
	v18 =	vor.u32 v23, v22  }
.LBB2_5:
0x58: {  	_ =	sdelay $0x1  }
0x59: {  	vm1 =	vlt.u32 v21, $0x200  }
0x5a: {  	vm3 =	vlt.u32 v17, $0x200;
	v15 =	vand.u32 $0x7F, v15;
	v58 =	vsub.s32 v7, v2  }
0x5b: {  	v60 =	vand.u32 $0x7F, v7;
	v61 =	vand.u32 $0xFFFFFF80, v17;
	v8 =	vand.u32 $0x7F, v8  }
0x5c: {  	[tilespmem:v19+s16+$0x0] =	vst.idx.add.f32.msk vm2, v13;
	v62 =	vand.u32 $0xFFFFFF80, v10;
	vm15 =	vlt.u32 v10, $0x200;
	v15 =	vor.u32 v15, v20  }
0x5d: {  	v6 =	vld.idx.msk [tilespmem:v6+s2+$0x0], $0xffff;
	v55 =	vsub.s32 v12, v2;
	v57 =	vand.u32 $0x7F, v12;
	v8 =	vor.u32 v8, v61  }
0x5e: {  	v4 =	vld.idx.msk [tilespmem:v4+s2+$0x0], $0xffff;
	v59 =	vand.u32 $0xFFFFFF80, v58;
	vm4 =	vlt.u32 v58, $0x200;
	v63 =	vor.u32 v14, v62  }
0x5f: {  	v5 =	vld.idx.msk [tilespmem:v5+s2+$0x0], $0xffff;
	v56 =	vand.u32 $0xFFFFFF80, v55;
	vm14 =	vlt.u32 v55, $0x200;
	v7 =	vor.u32 v60, v59  }
0x60: {  	v12 =	vor.u32 v57, v56;
	[tilespmem:v18+s16+$0x0] =	vst.idx.add.f32.msk vm0, v16  }
0x61: {  	[tilespmem:v15+s16+$0x0] =	vst.idx.add.f32.msk vm1, v11  }
0x62: {  	[tilespmem:v8+s16+$0x0] =	vst.idx.add.f32.msk vm3, v6  }
0x63: {  	[tilespmem:v63+s16+$0x0] =	vst.idx.add.f32.msk vm15, v4  }
0x64: {  	[tilespmem:v7+s16+$0x0] =	vst.idx.add.f32.msk vm4, v5  }
0x65: {  	s21 =	smov.u32 s8;
	[tilespmem:v12+s16+$0x0] =	vst.idx.add.f32.msk vm14, v9  }
.LBB2_6:
0x66: {  	v4 =	vadd.s32 s21, v1;
	_ =	sdelay $0x4  }
0x67: {  	v5 =	vld.idx.msk [tilespmem:v4+s11+$0x0], $0xffff;
	_ =	sdelay $0x4  }
0x68: {  	v6 =	vsub.s32 v5, v2  }
0x69: {  	s21 =	sadd.s32 $0x1, s21;
	v5 =	vand.u32 $0x7F, v5;
	vm0 =	vlt.u32 v6, $0x200;
	v6 =	vand.u32 $0xFFFFFF80, v6  }
0x6a: {  	p1 =	slt.u32 s21, s6;
	v4 =	vld.idx.msk [tilespmem:v4+s2+$0x0], $0xffff;
	v5 =	vor.u32 v5, v6  }
.Ltmp3:
0x6b: {  	_ = 	snop;
	(pc) =	sbr.rel @p1 .LBB2_6-.Ltmp3, $2  }
0x6c: {  	_ =	sdelay $0x2  }
0x6d: {  	[tilespmem:v5+s16+$0x0] =	vst.idx.add.f32.msk vm0, v4  }
0x6e: {  	[spmem:s1] =	stream.indirect.scatter.add.f32 [tilespmem:s16], [sflag:$0x3], $0x1, s18, s17, $0xb8;
	[tilespmem:$0x3620] =	vst v63  }
0x6f: {  	_ =	swait.ge [sflag:s19], $0x200  }
0x70: {  	[sflag:s19] =	ssyncset.done $0x0  }
0x71: {  	s21 =	sshrl.u32 @!p0 s1, $0x3;
	s20 =	sadd.s32 $0x1, s20;
	[sflag:s19] =	ssyncadd.s32 $0xFFFFFE00  }
0x72: {  	s22 =	simm.s32 @!p0 $0x1C03;
	p1 =	sne.s32 s20, s10;
	[bflag:$0x0] =	sbarrier.arrive $0xFFFF  }
0x73: {  	[hbm:s9], [sflag:s22] =	dma.local @!p0 [spmem:s21], $0x40  }
.Ltmp4:
0x74: {  	_ = 	snop;
	(pc) =	sbr.rel @p1 .LBB2_1-.Ltmp4, $4  }
0x75: {  	s21 =	simm.s32 @!p0 $0x3  }
0x76: {  	_ =	swait.ge @!p0 [sflag:s21], $0x40  }
0x77: {  	[sflag:s21] =	ssyncset.done @!p0 $0x0  }
0x78: {  	[sflag:s21] =	ssyncadd.s32 @!p0 $0xFFFFFFC0  }
0x79: {  	_ =	sfence.sel $0x180000  }
0x7a: {  	[bflag:$0x0] =	sbarrier.arrive $0xFFFF  }
0x7b: {  	_ =	strace $0x90000047  }
0x7c: {  	s0 =	sadd.s32 @!p0 $0x100000, s0;
	[bflag:$0x2] =	sbarrier.arrive $0xFFFF  }
0x7d: {  	[sflag:s0] =	ssyncadd.tile.s32 @!p0 $0x1;
	_ =	shalt  }
.Lfunc_end2:
_tile_overlayer_lowered:
.L_overlay_start_2:
0x7e: {  	(tag) =	ssettag $0x2  }
0x7f: {  	s0 =	rddreg [dreg:$0x0];
	s2 =	stileid.u32  }
0x80: {  	s1 =	rddreg [dreg:$0x1];
	p0 =	sne.s32 s2, $0x0  }
0x81: {  	s3 =	rddreg [dreg:$0x2];
	[bflag:$0x3] =	sbarrier.arrive $0xFFFF;
	s2 =	simm.s32 @!p0 $0x1C03  }
0x82: {  	[timem:s3], [sflag:s2] =	dma.local @!p0 [hbm:s0], s1  }
0x83: {  	s0 =	simm.s32 @!p0 $0x3  }
0x84: {  	_ =	swait.ge @!p0 [sflag:s0], s1  }
0x85: {  	s1 =	ssub.s32 @!p0 $0x0, s1;
	[sflag:s0] =	ssyncset.done @!p0 $0x0  }
0x86: {  	[sflag:s0] =	ssyncadd.s32 @!p0 s1  }
0x87: {  	[bflag:$0x3] =	sbarrier.arrive $0xFFFF  }
0x88: {  	_ =	shalt  }

</sc_bundles>
